<compile_context>
chip_gen: v7x
topology: tpu7x:2x2x1
jax: 0.10.2.dev20260603
libtpu: 0.0.44.dev20260713+nightly
codegen_flags: <defaults>
</compile_context>

<pallas_src>
import functools

import jax
import jax.numpy as jnp
from jax import lax
from jax.experimental import pallas as pl
from jax.experimental.pallas import tpu as pltpu
from jax.experimental.pallas import tpu_sc as plsc

N = 100000
G = 512
NC = 2
NS = 16
NW = NC * NS
L = 16
CHUNK = 3136
ITERS = CHUNK // L
LAST_BASE = N - CHUNK
LAST_SKIP = (NW - 1) * CHUNK - LAST_BASE

_mesh = plsc.VectorSubcoreMesh(
    core_axis_name="c", subcore_axis_name="s", num_cores=2, num_subcores=NS
)


@functools.partial(
    pl.kernel,
    out_type=jax.ShapeDtypeStruct((NC, G), jnp.float32),
    mesh=_mesh,
    compiler_params=pltpu.CompilerParams(
        needs_layout_passes=False, use_tc_tiling_on_sc=False
    ),
    scratch_types=[
        pltpu.VMEM((CHUNK,), jnp.float32),
        pltpu.VMEM((CHUNK,), jnp.int32),
        pltpu.VMEM((G,), jnp.float32),
        pltpu.VMEM_SHARED((NS, G), jnp.float32),
        pltpu.VMEM((NS, G // NS), jnp.float32),
        pltpu.VMEM((G // NS,), jnp.float32),
        pltpu.SemaphoreType.DMA,
        pltpu.SemaphoreType.DMA,
    ],
)
def _segsum(
    pos_hbm, batch_hbm, out_hbm, pos_v, batch_v, acc_v, shared, red_v, out_v,
    sem_x, sem_b,
):
    c = lax.axis_index("c")
    s = lax.axis_index("s")
    w = c * NS + s

    last = w == NW - 1
    base = jnp.where(last, LAST_BASE, w * CHUNK)
    start16 = jnp.where(last, LAST_SKIP, 0)
    cp_x = pltpu.async_copy(pos_hbm.at[pl.ds(base, CHUNK)], pos_v, sem_x)
    cp_b = pltpu.async_copy(batch_hbm.at[pl.ds(base, CHUNK)], batch_v, sem_b)

    for i in range(G // L):
        acc_v[pl.ds(i * L, L)] = jnp.zeros((L,), jnp.float32)
    cp_x.wait()
    cp_b.wait()

    lane_base = lax.iota(jnp.int32, L) * ITERS
    U = 4

    def body(j, carry):
        for u in range(U):
            k = lane_base + (j * U + u)
            x = plsc.load_gather(pos_v, [k])
            v = x * x * jnp.float32(0.1)
            b = plsc.load_gather(batch_v, [k])
            plsc.addupdate_scatter(acc_v, [b], v, mask=k >= start16)
        return carry

    lax.fori_loop(0, ITERS // U, body, 0)

    pltpu.sync_copy(acc_v, shared.at[s])
    plsc.subcore_barrier()

    W = G // NS
    pltpu.sync_copy(shared.at[:, pl.ds(s * W, W)], red_v)

    def red_body(r, tots):
        return tuple(
            tots[col] + red_v[r, pl.ds(col * L, L)] for col in range(W // L)
        )

    init = tuple(red_v[0, pl.ds(col * L, L)] for col in range(W // L))
    tots = lax.fori_loop(1, NS, red_body, init)
    for col in range(W // L):
        out_v[pl.ds(col * L, L)] = tots[col]
    pltpu.sync_copy(out_v, out_hbm.at[c, pl.ds(s * W, W)])


def kernel(positions, atomic_numbers, edge_index, unit_shifts, batch):
    del atomic_numbers, edge_index, unit_shifts
    partials = _segsum(positions[:, 0], batch)
    return (partials[0] + partials[1]).reshape(G, 1)

# --- scband reference (transcript-rebuilt; emitter-appended) ---
"""Pipeline reference for scband-autograd-external-runtime-model-42288247996795 (READ-ONLY COPY).

The authoritative reference and input builder live on the scoring server;
editing this copy changes nothing except your own understanding.
"""

import jax, jax.numpy as jnp
import numpy as np

N_NODES = 100000
N_EDGES = 6400000
NUM_GRAPHS = 512


def setup_inputs(seed: int = 0) -> dict:
    key = jax.random.key(seed)
    k1, k2, k3, k4 = jax.random.split(key, 4)
    positions = jax.random.normal(k1, (N_NODES, 3), dtype=jnp.float32)
    atomic_numbers = jax.random.randint(k2, (N_NODES,), 0, 100, dtype=jnp.int64 if jax.config.jax_enable_x64 else jnp.int32).astype(jnp.int32)
    edge_index = jax.random.randint(k3, (2, N_EDGES), 0, N_NODES).astype(jnp.int32)
    unit_shifts = jnp.zeros((N_EDGES, 3), dtype=jnp.float32)
    batch = jnp.sort(jax.random.randint(k4, (N_NODES,), 0, NUM_GRAPHS)).astype(jnp.int32)
    return {"positions": positions, "atomic_numbers": atomic_numbers, "edge_index": edge_index, "unit_shifts": unit_shifts, "batch": batch}


def reference(positions, atomic_numbers, edge_index, unit_shifts, batch):
    # Faithful translation of _AutogradExternalRuntimeModel.forward:
    # energies = scatter_add over graphs of positions[:, :1]**2 * 0.1
    # (atomic_numbers, edge_index, unit_shifts are validated/consumed but unused in the math)
    assert edge_index.ndim == 2
    assert unit_shifts.ndim == 2
    vals = jnp.square(positions[:, :1]) * 0.1  # [N, 1]
    energies = jax.ops.segment_sum(vals, batch, num_segments=NUM_GRAPHS)  # [B, 1]
    return energies

if __name__ == "__main__":
    import jax
    _d = setup_inputs()
    print(jax.jit(kernel)(*tuple(_d.values())))

</pallas_src>

<mosaic_0001>
#map = affine_map<(d0, d1) -> (0)>
#map1 = affine_map<(d0, d1) -> (0, 0)>
module attributes {stable_mosaic.version = 14 : i64} {
  func.func @_segsum(%arg0: i32, %arg1: i32, %arg2: memref<100000xf32, #tpu.memory_space<hbm>>, %arg3: memref<100000xi32, #tpu.memory_space<hbm>>, %arg4: memref<2x512xf32, #tpu.memory_space<hbm>>, %arg5: memref<3136xf32, #tpu.memory_space<vmem>>, %arg6: memref<3136xi32, #tpu.memory_space<vmem>>, %arg7: memref<512xf32, #tpu.memory_space<vmem>>, %arg8: memref<16x512xf32, #tpu.memory_space<vmem_shared>>, %arg9: memref<16x32xf32, #tpu.memory_space<vmem>>, %arg10: memref<32xf32, #tpu.memory_space<vmem>>, %arg11: memref<!tpu.dma_semaphore, #tpu.memory_space<semaphore_mem>>, %arg12: memref<!tpu.dma_semaphore, #tpu.memory_space<semaphore_mem>>) attributes {dimension_semantics = [#tpu.dimension_semantics<core_parallel>, #tpu.dimension_semantics<subcore_parallel>], iteration_bounds = array<i64: 2, 16>, scalar_prefetch = 0 : i64, scratch_operands = 8 : i64, tpu.core_type = #tpu.core_type<sc_vector_subcore>, window_params = [{transform_indices = #map}, {transform_indices = #map}, {transform_indices = #map1}]} {
    %mul3A = arith.constant 16 : i32
    %mul3A_0 = arith.muli %arg0, %mul3A : i32
    %add3A = arith.addi %mul3A_0, %arg1 : i32
    %eq3A = arith.constant 31 : i32
    %eq3A_1 = arith.cmpi eq, %add3A, %eq3A : i32
    %mul3A_2 = arith.constant 3136 : i32
    %mul3A_3 = arith.muli %add3A, %mul3A_2 : i32
    %jit3A = arith.constant 96864 : i32
    %select_n3A = arith.select %eq3A_1, %jit3A, %mul3A_3 : i32
    %jit3A_4 = arith.constant 352 : i32
    %jit3A_5 = arith.constant 0 : i32
    %select_n3A_6 = arith.select %eq3A_1, %jit3A_4, %jit3A_5 : i32
    %dma_start3A = tpu.memref_slice %arg2[%select_n3A] : memref<100000xf32, #tpu.memory_space<hbm>> -> memref<3136xf32, #tpu.memory_space<hbm>>
    %dma_start3A_7 = tpu.memref_slice %arg2[%select_n3A] : memref<100000xf32, #tpu.memory_space<hbm>> -> memref<3136xf32, #tpu.memory_space<hbm>>
    tpu.enqueue_dma source(%dma_start3A_7 : memref<3136xf32, #tpu.memory_space<hbm>>) target(%arg5 : memref<3136xf32, #tpu.memory_space<vmem>>) target_semaphore(%arg11 : memref<!tpu.dma_semaphore, #tpu.memory_space<semaphore_mem>>)
    %dma_start3A_8 = tpu.memref_slice %arg3[%select_n3A] : memref<100000xi32, #tpu.memory_space<hbm>> -> memref<3136xi32, #tpu.memory_space<hbm>>
    %dma_start3A_9 = tpu.memref_slice %arg3[%select_n3A] : memref<100000xi32, #tpu.memory_space<hbm>> -> memref<3136xi32, #tpu.memory_space<hbm>>
    tpu.enqueue_dma source(%dma_start3A_9 : memref<3136xi32, #tpu.memory_space<hbm>>) target(%arg6 : memref<3136xi32, #tpu.memory_space<vmem>>) target_semaphore(%arg12 : memref<!tpu.dma_semaphore, #tpu.memory_space<semaphore_mem>>)
    %broadcast_in_dim3A = arith.constant 0.000000e+00 : f32
    %broadcast_in_dim3A_10 = vector.broadcast %broadcast_in_dim3A : f32 to vector<16xf32>
    %swap3A = arith.constant 0 : index
    %swap3A_11 = tpu.vector_load %arg7[%swap3A] {strides = array<i32>} : memref<512xf32, #tpu.memory_space<vmem>>, vector<16xf32>,
    tpu.vector_store %arg7[%swap3A], %broadcast_in_dim3A_10 {strides = array<i32>} : memref<512xf32, #tpu.memory_space<vmem>>, vector<16xf32>,
    %broadcast_in_dim3A_12 = arith.constant 0.000000e+00 : f32
    %broadcast_in_dim3A_13 = vector.broadcast %broadcast_in_dim3A_12 : f32 to vector<16xf32>
    %swap3A_14 = arith.constant 16 : index
    %swap3A_15 = tpu.vector_load %arg7[%swap3A_14] {strides = array<i32>} : memref<512xf32, #tpu.memory_space<vmem>>, vector<16xf32>,
    tpu.vector_store %arg7[%swap3A_14], %broadcast_in_dim3A_13 {strides = array<i32>} : memref<512xf32, #tpu.memory_space<vmem>>, vector<16xf32>,
    %broadcast_in_dim3A_16 = arith.constant 0.000000e+00 : f32
    %broadcast_in_dim3A_17 = vector.broadcast %broadcast_in_dim3A_16 : f32 to vector<16xf32>
    %swap3A_18 = arith.constant 32 : index
    %swap3A_19 = tpu.vector_load %arg7[%swap3A_18] {strides = array<i32>} : memref<512xf32, #tpu.memory_space<vmem>>, vector<16xf32>,
    tpu.vector_store %arg7[%swap3A_18], %broadcast_in_dim3A_17 {strides = array<i32>} : memref<512xf32, #tpu.memory_space<vmem>>, vector<16xf32>,
    %broadcast_in_dim3A_20 = arith.constant 0.000000e+00 : f32
    %broadcast_in_dim3A_21 = vector.broadcast %broadcast_in_dim3A_20 : f32 to vector<16xf32>
    %swap3A_22 = arith.constant 48 : index
    %swap3A_23 = tpu.vector_load %arg7[%swap3A_22] {strides = array<i32>} : memref<512xf32, #tpu.memory_space<vmem>>, vector<16xf32>,
    tpu.vector_store %arg7[%swap3A_22], %broadcast_in_dim3A_21 {strides = array<i32>} : memref<512xf32, #tpu.memory_space<vmem>>, vector<16xf32>,
    %broadcast_in_dim3A_24 = arith.constant 0.000000e+00 : f32
    %broadcast_in_dim3A_25 = vector.broadcast %broadcast_in_dim3A_24 : f32 to vector<16xf32>
    %swap3A_26 = arith.constant 64 : index
    %swap3A_27 = tpu.vector_load %arg7[%swap3A_26] {strides = array<i32>} : memref<512xf32, #tpu.memory_space<vmem>>, vector<16xf32>,
    tpu.vector_store %arg7[%swap3A_26], %broadcast_in_dim3A_25 {strides = array<i32>} : memref<512xf32, #tpu.memory_space<vmem>>, vector<16xf32>,
    %broadcast_in_dim3A_28 = arith.constant 0.000000e+00 : f32
    %broadcast_in_dim3A_29 = vector.broadcast %broadcast_in_dim3A_28 : f32 to vector<16xf32>
    %swap3A_30 = arith.constant 80 : index
    %swap3A_31 = tpu.vector_load %arg7[%swap3A_30] {strides = array<i32>} : memref<512xf32, #tpu.memory_space<vmem>>, vector<16xf32>,
    tpu.vector_store %arg7[%swap3A_30], %broadcast_in_dim3A_29 {strides = array<i32>} : memref<512xf32, #tpu.memory_space<vmem>>, vector<16xf32>,
    %broadcast_in_dim3A_32 = arith.constant 0.000000e+00 : f32
    %broadcast_in_dim3A_33 = vector.broadcast %broadcast_in_dim3A_32 : f32 to vector<16xf32>
    %swap3A_34 = arith.constant 96 : index
    %swap3A_35 = tpu.vector_load %arg7[%swap3A_34] {strides = array<i32>} : memref<512xf32, #tpu.memory_space<vmem>>, vector<16xf32>,
    tpu.vector_store %arg7[%swap3A_34], %broadcast_in_dim3A_33 {strides = array<i32>} : memref<512xf32, #tpu.memory_space<vmem>>, vector<16xf32>,
    %broadcast_in_dim3A_36 = arith.constant 0.000000e+00 : f32
    %broadcast_in_dim3A_37 = vector.broadcast %broadcast_in_dim3A_36 : f32 to vector<16xf32>
    %swap3A_38 = arith.constant 112 : index
    %swap3A_39 = tpu.vector_load %arg7[%swap3A_38] {strides = array<i32>} : memref<512xf32, #tpu.memory_space<vmem>>, vector<16xf32>,
    tpu.vector_store %arg7[%swap3A_38], %broadcast_in_dim3A_37 {strides = array<i32>} : memref<512xf32, #tpu.memory_space<vmem>>, vector<16xf32>,
    %broadcast_in_dim3A_40 = arith.constant 0.000000e+00 : f32
    %broadcast_in_dim3A_41 = vector.broadcast %broadcast_in_dim3A_40 : f32 to vector<16xf32>
    %swap3A_42 = arith.constant 128 : index
    %swap3A_43 = tpu.vector_load %arg7[%swap3A_42] {strides = array<i32>} : memref<512xf32, #tpu.memory_space<vmem>>, vector<16xf32>,
    tpu.vector_store %arg7[%swap3A_42], %broadcast_in_dim3A_41 {strides = array<i32>} : memref<512xf32, #tpu.memory_space<vmem>>, vector<16xf32>,
    %broadcast_in_dim3A_44 = arith.constant 0.000000e+00 : f32
    %broadcast_in_dim3A_45 = vector.broadcast %broadcast_in_dim3A_44 : f32 to vector<16xf32>
    %swap3A_46 = arith.constant 144 : index
    %swap3A_47 = tpu.vector_load %arg7[%swap3A_46] {strides = array<i32>} : memref<512xf32, #tpu.memory_space<vmem>>, vector<16xf32>,
    tpu.vector_store %arg7[%swap3A_46], %broadcast_in_dim3A_45 {strides = array<i32>} : memref<512xf32, #tpu.memory_space<vmem>>, vector<16xf32>,
    %broadcast_in_dim3A_48 = arith.constant 0.000000e+00 : f32
    %broadcast_in_dim3A_49 = vector.broadcast %broadcast_in_dim3A_48 : f32 to vector<16xf32>
    %swap3A_50 = arith.constant 160 : index
    %swap3A_51 = tpu.vector_load %arg7[%swap3A_50] {strides = array<i32>} : memref<512xf32, #tpu.memory_space<vmem>>, vector<16xf32>,
    tpu.vector_store %arg7[%swap3A_50], %broadcast_in_dim3A_49 {strides = array<i32>} : memref<512xf32, #tpu.memory_space<vmem>>, vector<16xf32>,
    %broadcast_in_dim3A_52 = arith.constant 0.000000e+00 : f32
    %broadcast_in_dim3A_53 = vector.broadcast %broadcast_in_dim3A_52 : f32 to vector<16xf32>
    %swap3A_54 = arith.constant 176 : index
    %swap3A_55 = tpu.vector_load %arg7[%swap3A_54] {strides = array<i32>} : memref<512xf32, #tpu.memory_space<vmem>>, vector<16xf32>,
    tpu.vector_store %arg7[%swap3A_54], %broadcast_in_dim3A_53 {strides = array<i32>} : memref<512xf32, #tpu.memory_space<vmem>>, vector<16xf32>,
    %broadcast_in_dim3A_56 = arith.constant 0.000000e+00 : f32
    %broadcast_in_dim3A_57 = vector.broadcast %broadcast_in_dim3A_56 : f32 to vector<16xf32>
    %swap3A_58 = arith.constant 192 : index
    %swap3A_59 = tpu.vector_load %arg7[%swap3A_58] {strides = array<i32>} : memref<512xf32, #tpu.memory_space<vmem>>, vector<16xf32>,
    tpu.vector_store %arg7[%swap3A_58], %broadcast_in_dim3A_57 {strides = array<i32>} : memref<512xf32, #tpu.memory_space<vmem>>, vector<16xf32>,
    %broadcast_in_dim3A_60 = arith.constant 0.000000e+00 : f32
    %broadcast_in_dim3A_61 = vector.broadcast %broadcast_in_dim3A_60 : f32 to vector<16xf32>
    %swap3A_62 = arith.constant 208 : index
    %swap3A_63 = tpu.vector_load %arg7[%swap3A_62] {strides = array<i32>} : memref<512xf32, #tpu.memory_space<vmem>>, vector<16xf32>,
    tpu.vector_store %arg7[%swap3A_62], %broadcast_in_dim3A_61 {strides = array<i32>} : memref<512xf32, #tpu.memory_space<vmem>>, vector<16xf32>,
    %broadcast_in_dim3A_64 = arith.constant 0.000000e+00 : f32
    %broadcast_in_dim3A_65 = vector.broadcast %broadcast_in_dim3A_64 : f32 to vector<16xf32>
    %swap3A_66 = arith.constant 224 : index
    %swap3A_67 = tpu.vector_load %arg7[%swap3A_66] {strides = array<i32>} : memref<512xf32, #tpu.memory_space<vmem>>, vector<16xf32>,
    tpu.vector_store %arg7[%swap3A_66], %broadcast_in_dim3A_65 {strides = array<i32>} : memref<512xf32, #tpu.memory_space<vmem>>, vector<16xf32>,
    %broadcast_in_dim3A_68 = arith.constant 0.000000e+00 : f32
    %broadcast_in_dim3A_69 = vector.broadcast %broadcast_in_dim3A_68 : f32 to vector<16xf32>
    %swap3A_70 = arith.constant 240 : index
    %swap3A_71 = tpu.vector_load %arg7[%swap3A_70] {strides = array<i32>} : memref<512xf32, #tpu.memory_space<vmem>>, vector<16xf32>,
    tpu.vector_store %arg7[%swap3A_70], %broadcast_in_dim3A_69 {strides = array<i32>} : memref<512xf32, #tpu.memory_space<vmem>>, vector<16xf32>,
    %broadcast_in_dim3A_72 = arith.constant 0.000000e+00 : f32
    %broadcast_in_dim3A_73 = vector.broadcast %broadcast_in_dim3A_72 : f32 to vector<16xf32>
    %swap3A_74 = arith.constant 256 : index
    %swap3A_75 = tpu.vector_load %arg7[%swap3A_74] {strides = array<i32>} : memref<512xf32, #tpu.memory_space<vmem>>, vector<16xf32>,
    tpu.vector_store %arg7[%swap3A_74], %broadcast_in_dim3A_73 {strides = array<i32>} : memref<512xf32, #tpu.memory_space<vmem>>, vector<16xf32>,
    %broadcast_in_dim3A_76 = arith.constant 0.000000e+00 : f32
    %broadcast_in_dim3A_77 = vector.broadcast %broadcast_in_dim3A_76 : f32 to vector<16xf32>
    %swap3A_78 = arith.constant 272 : index
    %swap3A_79 = tpu.vector_load %arg7[%swap3A_78] {strides = array<i32>} : memref<512xf32, #tpu.memory_space<vmem>>, vector<16xf32>,
    tpu.vector_store %arg7[%swap3A_78], %broadcast_in_dim3A_77 {strides = array<i32>} : memref<512xf32, #tpu.memory_space<vmem>>, vector<16xf32>,
    %broadcast_in_dim3A_80 = arith.constant 0.000000e+00 : f32
    %broadcast_in_dim3A_81 = vector.broadcast %broadcast_in_dim3A_80 : f32 to vector<16xf32>
    %swap3A_82 = arith.constant 288 : index
    %swap3A_83 = tpu.vector_load %arg7[%swap3A_82] {strides = array<i32>} : memref<512xf32, #tpu.memory_space<vmem>>, vector<16xf32>,
    tpu.vector_store %arg7[%swap3A_82], %broadcast_in_dim3A_81 {strides = array<i32>} : memref<512xf32, #tpu.memory_space<vmem>>, vector<16xf32>,
    %broadcast_in_dim3A_84 = arith.constant 0.000000e+00 : f32
    %broadcast_in_dim3A_85 = vector.broadcast %broadcast_in_dim3A_84 : f32 to vector<16xf32>
    %swap3A_86 = arith.constant 304 : index
    %swap3A_87 = tpu.vector_load %arg7[%swap3A_86] {strides = array<i32>} : memref<512xf32, #tpu.memory_space<vmem>>, vector<16xf32>,
    tpu.vector_store %arg7[%swap3A_86], %broadcast_in_dim3A_85 {strides = array<i32>} : memref<512xf32, #tpu.memory_space<vmem>>, vector<16xf32>,
    %broadcast_in_dim3A_88 = arith.constant 0.000000e+00 : f32
    %broadcast_in_dim3A_89 = vector.broadcast %broadcast_in_dim3A_88 : f32 to vector<16xf32>
    %swap3A_90 = arith.constant 320 : index
    %swap3A_91 = tpu.vector_load %arg7[%swap3A_90] {strides = array<i32>} : memref<512xf32, #tpu.memory_space<vmem>>, vector<16xf32>,
    tpu.vector_store %arg7[%swap3A_90], %broadcast_in_dim3A_89 {strides = array<i32>} : memref<512xf32, #tpu.memory_space<vmem>>, vector<16xf32>,
    %broadcast_in_dim3A_92 = arith.constant 0.000000e+00 : f32
    %broadcast_in_dim3A_93 = vector.broadcast %broadcast_in_dim3A_92 : f32 to vector<16xf32>
    %swap3A_94 = arith.constant 336 : index
    %swap3A_95 = tpu.vector_load %arg7[%swap3A_94] {strides = array<i32>} : memref<512xf32, #tpu.memory_space<vmem>>, vector<16xf32>,
    tpu.vector_store %arg7[%swap3A_94], %broadcast_in_dim3A_93 {strides = array<i32>} : memref<512xf32, #tpu.memory_space<vmem>>, vector<16xf32>,
    %broadcast_in_dim3A_96 = arith.constant 0.000000e+00 : f32
    %broadcast_in_dim3A_97 = vector.broadcast %broadcast_in_dim3A_96 : f32 to vector<16xf32>
    %swap3A_98 = arith.constant 352 : index
    %swap3A_99 = tpu.vector_load %arg7[%swap3A_98] {strides = array<i32>} : memref<512xf32, #tpu.memory_space<vmem>>, vector<16xf32>,
    tpu.vector_store %arg7[%swap3A_98], %broadcast_in_dim3A_97 {strides = array<i32>} : memref<512xf32, #tpu.memory_space<vmem>>, vector<16xf32>,
    %broadcast_in_dim3A_100 = arith.constant 0.000000e+00 : f32
    %broadcast_in_dim3A_101 = vector.broadcast %broadcast_in_dim3A_100 : f32 to vector<16xf32>
    %swap3A_102 = arith.constant 368 : index
    %swap3A_103 = tpu.vector_load %arg7[%swap3A_102] {strides = array<i32>} : memref<512xf32, #tpu.memory_space<vmem>>, vector<16xf32>,
    tpu.vector_store %arg7[%swap3A_102], %broadcast_in_dim3A_101 {strides = array<i32>} : memref<512xf32, #tpu.memory_space<vmem>>, vector<16xf32>,
    %broadcast_in_dim3A_104 = arith.constant 0.000000e+00 : f32
    %broadcast_in_dim3A_105 = vector.broadcast %broadcast_in_dim3A_104 : f32 to vector<16xf32>
    %swap3A_106 = arith.constant 384 : index
    %swap3A_107 = tpu.vector_load %arg7[%swap3A_106] {strides = array<i32>} : memref<512xf32, #tpu.memory_space<vmem>>, vector<16xf32>,
    tpu.vector_store %arg7[%swap3A_106], %broadcast_in_dim3A_105 {strides = array<i32>} : memref<512xf32, #tpu.memory_space<vmem>>, vector<16xf32>,
    %broadcast_in_dim3A_108 = arith.constant 0.000000e+00 : f32
    %broadcast_in_dim3A_109 = vector.broadcast %broadcast_in_dim3A_108 : f32 to vector<16xf32>
    %swap3A_110 = arith.constant 400 : index
    %swap3A_111 = tpu.vector_load %arg7[%swap3A_110] {strides = array<i32>} : memref<512xf32, #tpu.memory_space<vmem>>, vector<16xf32>,
    tpu.vector_store %arg7[%swap3A_110], %broadcast_in_dim3A_109 {strides = array<i32>} : memref<512xf32, #tpu.memory_space<vmem>>, vector<16xf32>,
    %broadcast_in_dim3A_112 = arith.constant 0.000000e+00 : f32
    %broadcast_in_dim3A_113 = vector.broadcast %broadcast_in_dim3A_112 : f32 to vector<16xf32>
    %swap3A_114 = arith.constant 416 : index
    %swap3A_115 = tpu.vector_load %arg7[%swap3A_114] {strides = array<i32>} : memref<512xf32, #tpu.memory_space<vmem>>, vector<16xf32>,
    tpu.vector_store %arg7[%swap3A_114], %broadcast_in_dim3A_113 {strides = array<i32>} : memref<512xf32, #tpu.memory_space<vmem>>, vector<16xf32>,
    %broadcast_in_dim3A_116 = arith.constant 0.000000e+00 : f32
    %broadcast_in_dim3A_117 = vector.broadcast %broadcast_in_dim3A_116 : f32 to vector<16xf32>
    %swap3A_118 = arith.constant 432 : index
    %swap3A_119 = tpu.vector_load %arg7[%swap3A_118] {strides = array<i32>} : memref<512xf32, #tpu.memory_space<vmem>>, vector<16xf32>,
    tpu.vector_store %arg7[%swap3A_118], %broadcast_in_dim3A_117 {strides = array<i32>} : memref<512xf32, #tpu.memory_space<vmem>>, vector<16xf32>,
    %broadcast_in_dim3A_120 = arith.constant 0.000000e+00 : f32
    %broadcast_in_dim3A_121 = vector.broadcast %broadcast_in_dim3A_120 : f32 to vector<16xf32>
    %swap3A_122 = arith.constant 448 : index
    %swap3A_123 = tpu.vector_load %arg7[%swap3A_122] {strides = array<i32>} : memref<512xf32, #tpu.memory_space<vmem>>, vector<16xf32>,
    tpu.vector_store %arg7[%swap3A_122], %broadcast_in_dim3A_121 {strides = array<i32>} : memref<512xf32, #tpu.memory_space<vmem>>, vector<16xf32>,
    %broadcast_in_dim3A_124 = arith.constant 0.000000e+00 : f32
    %broadcast_in_dim3A_125 = vector.broadcast %broadcast_in_dim3A_124 : f32 to vector<16xf32>
    %swap3A_126 = arith.constant 464 : index
    %swap3A_127 = tpu.vector_load %arg7[%swap3A_126] {strides = array<i32>} : memref<512xf32, #tpu.memory_space<vmem>>, vector<16xf32>,
    tpu.vector_store %arg7[%swap3A_126], %broadcast_in_dim3A_125 {strides = array<i32>} : memref<512xf32, #tpu.memory_space<vmem>>, vector<16xf32>,
    %broadcast_in_dim3A_128 = arith.constant 0.000000e+00 : f32
    %broadcast_in_dim3A_129 = vector.broadcast %broadcast_in_dim3A_128 : f32 to vector<16xf32>
    %swap3A_130 = arith.constant 480 : index
    %swap3A_131 = tpu.vector_load %arg7[%swap3A_130] {strides = array<i32>} : memref<512xf32, #tpu.memory_space<vmem>>, vector<16xf32>,
    tpu.vector_store %arg7[%swap3A_130], %broadcast_in_dim3A_129 {strides = array<i32>} : memref<512xf32, #tpu.memory_space<vmem>>, vector<16xf32>,
    %broadcast_in_dim3A_132 = arith.constant 0.000000e+00 : f32
    %broadcast_in_dim3A_133 = vector.broadcast %broadcast_in_dim3A_132 : f32 to vector<16xf32>
    %swap3A_134 = arith.constant 496 : index
    %swap3A_135 = tpu.vector_load %arg7[%swap3A_134] {strides = array<i32>} : memref<512xf32, #tpu.memory_space<vmem>>, vector<16xf32>,
    tpu.vector_store %arg7[%swap3A_134], %broadcast_in_dim3A_133 {strides = array<i32>} : memref<512xf32, #tpu.memory_space<vmem>>, vector<16xf32>,
    %dma_wait3A = tpu.memref_slice %arg2[%select_n3A] : memref<100000xf32, #tpu.memory_space<hbm>> -> memref<3136xf32, #tpu.memory_space<hbm>>
    %dma_wait3A_136 = tpu.memref_slice %arg2[%select_n3A] : memref<100000xf32, #tpu.memory_space<hbm>> -> memref<3136xf32, #tpu.memory_space<hbm>>
    tpu.wait_dma2 semaphore(%arg11 : memref<!tpu.dma_semaphore, #tpu.memory_space<semaphore_mem>>) src(%dma_wait3A_136 : memref<3136xf32, #tpu.memory_space<hbm>>) dst(%arg5 : memref<3136xf32, #tpu.memory_space<vmem>>)
    %dma_wait3A_137 = tpu.memref_slice %arg3[%select_n3A] : memref<100000xi32, #tpu.memory_space<hbm>> -> memref<3136xi32, #tpu.memory_space<hbm>>
    %dma_wait3A_138 = tpu.memref_slice %arg3[%select_n3A] : memref<100000xi32, #tpu.memory_space<hbm>> -> memref<3136xi32, #tpu.memory_space<hbm>>
    tpu.wait_dma2 semaphore(%arg12 : memref<!tpu.dma_semaphore, #tpu.memory_space<semaphore_mem>>) src(%dma_wait3A_138 : memref<3136xi32, #tpu.memory_space<hbm>>) dst(%arg6 : memref<3136xi32, #tpu.memory_space<vmem>>)
    %iota3A = tpu.iota {dimensions = array<i32: 0>} : vector<16xi32>
    %mul3A_139 = arith.constant 196 : i32
    %mul3A_140 = vector.broadcast %mul3A_139 : i32 to vector<16xi32>
    %mul3A_141 = arith.muli %iota3A, %mul3A_140 : vector<16xi32>
    %scan3A = arith.constant 0 : i32
    %scan3A_142 = arith.constant 0 : i32
    %scan3A_143 = arith.constant 49 : i32
    %scan3A_144 = arith.addi %scan3A_142, %scan3A_143 : i32
    %scan3A_145 = arith.constant 1 : i32
    scf.for %scan3A_168 = %scan3A_142 to %scan3A_144 step %scan3A_145  : i32 {
      %mul3A_169 = arith.constant 4 : i32
      %mul3A_170 = arith.muli %scan3A_168, %mul3A_169 : i32
      %add3A_171 = arith.constant 0 : i32
      %add3A_172 = arith.addi %mul3A_170, %add3A_171 : i32
      %add3A_173 = vector.broadcast %add3A_172 : i32 to vector<16xi32>
      %add3A_174 = arith.addi %mul3A_141, %add3A_173 : vector<16xi32>
      %gather3A = tpu.vector_load_idx %arg5[%add3A_174] : memref<3136xf32, #tpu.memory_space<vmem>>[vector<16xi32>], vector<16xf32>,
      %mul3A_175 = arith.mulf %gather3A, %gather3A : vector<16xf32>
      %mul3A_176 = arith.constant 1.000000e-01 : f32
      %mul3A_177 = vector.broadcast %mul3A_176 : f32 to vector<16xf32>
      %mul3A_178 = arith.mulf %mul3A_175, %mul3A_177 : vector<16xf32>
      %gather3A_179 = tpu.vector_load_idx %arg6[%add3A_174] : memref<3136xi32, #tpu.memory_space<vmem>>[vector<16xi32>], vector<16xi32>,
      %ge3A = vector.broadcast %select_n3A_6 : i32 to vector<16xi32>
      %ge3A_180 = arith.cmpi sge, %add3A_174, %ge3A : vector<16xi32>
      tpu.vector_store_idx %arg7[%gather3A_179], %mul3A_178 masked %ge3A_180 {add = true} : memref<512xf32, #tpu.memory_space<vmem>>[vector<16xi32>], vector<16xf32>, vector<16xi1>
      %mul3A_181 = arith.constant 4 : i32
      %mul3A_182 = arith.muli %scan3A_168, %mul3A_181 : i32
      %add3A_183 = arith.constant 1 : i32
      %add3A_184 = arith.addi %mul3A_182, %add3A_183 : i32
      %add3A_185 = vector.broadcast %add3A_184 : i32 to vector<16xi32>
      %add3A_186 = arith.addi %mul3A_141, %add3A_185 : vector<16xi32>
      %gather3A_187 = tpu.vector_load_idx %arg5[%add3A_186] : memref<3136xf32, #tpu.memory_space<vmem>>[vector<16xi32>], vector<16xf32>,
      %mul3A_188 = arith.mulf %gather3A_187, %gather3A_187 : vector<16xf32>
      %mul3A_189 = arith.constant 1.000000e-01 : f32
      %mul3A_190 = vector.broadcast %mul3A_189 : f32 to vector<16xf32>
      %mul3A_191 = arith.mulf %mul3A_188, %mul3A_190 : vector<16xf32>
      %gather3A_192 = tpu.vector_load_idx %arg6[%add3A_186] : memref<3136xi32, #tpu.memory_space<vmem>>[vector<16xi32>], vector<16xi32>,
      %ge3A_193 = vector.broadcast %select_n3A_6 : i32 to vector<16xi32>
      %ge3A_194 = arith.cmpi sge, %add3A_186, %ge3A_193 : vector<16xi32>
      tpu.vector_store_idx %arg7[%gather3A_192], %mul3A_191 masked %ge3A_194 {add = true} : memref<512xf32, #tpu.memory_space<vmem>>[vector<16xi32>], vector<16xf32>, vector<16xi1>
      %mul3A_195 = arith.constant 4 : i32
      %mul3A_196 = arith.muli %scan3A_168, %mul3A_195 : i32
      %add3A_197 = arith.constant 2 : i32
      %add3A_198 = arith.addi %mul3A_196, %add3A_197 : i32
      %add3A_199 = vector.broadcast %add3A_198 : i32 to vector<16xi32>
      %add3A_200 = arith.addi %mul3A_141, %add3A_199 : vector<16xi32>
      %gather3A_201 = tpu.vector_load_idx %arg5[%add3A_200] : memref<3136xf32, #tpu.memory_space<vmem>>[vector<16xi32>], vector<16xf32>,
      %mul3A_202 = arith.mulf %gather3A_201, %gather3A_201 : vector<16xf32>
      %mul3A_203 = arith.constant 1.000000e-01 : f32
      %mul3A_204 = vector.broadcast %mul3A_203 : f32 to vector<16xf32>
      %mul3A_205 = arith.mulf %mul3A_202, %mul3A_204 : vector<16xf32>
      %gather3A_206 = tpu.vector_load_idx %arg6[%add3A_200] : memref<3136xi32, #tpu.memory_space<vmem>>[vector<16xi32>], vector<16xi32>,
      %ge3A_207 = vector.broadcast %select_n3A_6 : i32 to vector<16xi32>
      %ge3A_208 = arith.cmpi sge, %add3A_200, %ge3A_207 : vector<16xi32>
      tpu.vector_store_idx %arg7[%gather3A_206], %mul3A_205 masked %ge3A_208 {add = true} : memref<512xf32, #tpu.memory_space<vmem>>[vector<16xi32>], vector<16xf32>, vector<16xi1>
      %mul3A_209 = arith.constant 4 : i32
      %mul3A_210 = arith.muli %scan3A_168, %mul3A_209 : i32
      %add3A_211 = arith.constant 3 : i32
      %add3A_212 = arith.addi %mul3A_210, %add3A_211 : i32
      %add3A_213 = vector.broadcast %add3A_212 : i32 to vector<16xi32>
      %add3A_214 = arith.addi %mul3A_141, %add3A_213 : vector<16xi32>
      %gather3A_215 = tpu.vector_load_idx %arg5[%add3A_214] : memref<3136xf32, #tpu.memory_space<vmem>>[vector<16xi32>], vector<16xf32>,
      %mul3A_216 = arith.mulf %gather3A_215, %gather3A_215 : vector<16xf32>
      %mul3A_217 = arith.constant 1.000000e-01 : f32
      %mul3A_218 = vector.broadcast %mul3A_217 : f32 to vector<16xf32>
      %mul3A_219 = arith.mulf %mul3A_216, %mul3A_218 : vector<16xf32>
      %gather3A_220 = tpu.vector_load_idx %arg6[%add3A_214] : memref<3136xi32, #tpu.memory_space<vmem>>[vector<16xi32>], vector<16xi32>,
      %ge3A_221 = vector.broadcast %select_n3A_6 : i32 to vector<16xi32>
      %ge3A_222 = arith.cmpi sge, %add3A_214, %ge3A_221 : vector<16xi32>
      tpu.vector_store_idx %arg7[%gather3A_220], %mul3A_219 masked %ge3A_222 {add = true} : memref<512xf32, #tpu.memory_space<vmem>>[vector<16xi32>], vector<16xf32>, vector<16xi1>
    }
    %scan3A_146 = arith.constant 49 : i32
    "tpu.region"() ({
      %run_scoped3A = tpu.sem_alloc : memref<!tpu.dma_semaphore, #tpu.memory_space<semaphore_mem>>
      %dma_start3A_168 = arith.constant 0 : i32
      %dma_start3A_169 = tpu.memref_slice %arg8[%arg1, %dma_start3A_168] : memref<16x512xf32, #tpu.memory_space<vmem_shared>> -> memref<1x512xf32, #tpu.memory_space<vmem_shared>>
      %dma_start3A_170 = tpu.memref_squeeze %dma_start3A_169 : memref<1x512xf32, #tpu.memory_space<vmem_shared>> -> memref<512xf32, #tpu.memory_space<vmem_shared>>
      %dma_start3A_171 = arith.constant 0 : i32
      %dma_start3A_172 = tpu.memref_slice %arg8[%arg1, %dma_start3A_171] : memref<16x512xf32, #tpu.memory_space<vmem_shared>> -> memref<1x512xf32, #tpu.memory_space<vmem_shared>>
      %dma_start3A_173 = tpu.memref_squeeze %dma_start3A_172 : memref<1x512xf32, #tpu.memory_space<vmem_shared>> -> memref<512xf32, #tpu.memory_space<vmem_shared>>
      tpu.enqueue_dma source(%arg7 : memref<512xf32, #tpu.memory_space<vmem>>) target(%dma_start3A_173 : memref<512xf32, #tpu.memory_space<vmem_shared>>) target_semaphore(%run_scoped3A : memref<!tpu.dma_semaphore, #tpu.memory_space<semaphore_mem>>)
      %dma_wait3A_174 = arith.constant 0 : i32
      %dma_wait3A_175 = tpu.memref_slice %arg8[%arg1, %dma_wait3A_174] : memref<16x512xf32, #tpu.memory_space<vmem_shared>> -> memref<1x512xf32, #tpu.memory_space<vmem_shared>>
      %dma_wait3A_176 = tpu.memref_squeeze %dma_wait3A_175 : memref<1x512xf32, #tpu.memory_space<vmem_shared>> -> memref<512xf32, #tpu.memory_space<vmem_shared>>
      %dma_wait3A_177 = arith.constant 0 : i32
      %dma_wait3A_178 = tpu.memref_slice %arg8[%arg1, %dma_wait3A_177] : memref<16x512xf32, #tpu.memory_space<vmem_shared>> -> memref<1x512xf32, #tpu.memory_space<vmem_shared>>
      %dma_wait3A_179 = tpu.memref_squeeze %dma_wait3A_178 : memref<1x512xf32, #tpu.memory_space<vmem_shared>> -> memref<512xf32, #tpu.memory_space<vmem_shared>>
      tpu.wait_dma2 semaphore(%run_scoped3A : memref<!tpu.dma_semaphore, #tpu.memory_space<semaphore_mem>>) src(%arg7 : memref<512xf32, #tpu.memory_space<vmem>>) dst(%dma_wait3A_179 : memref<512xf32, #tpu.memory_space<vmem_shared>>)
      tpu.yield
    }) : () -> ()
    %barrier3A = arith.constant 0 : index
    tpu.barrier barrier_id(%barrier3A)
    %mul3A_147 = arith.constant 32 : i32
    %mul3A_148 = arith.muli %arg1, %mul3A_147 : i32
    "tpu.region"() ({
      %run_scoped3A = tpu.sem_alloc : memref<!tpu.dma_semaphore, #tpu.memory_space<semaphore_mem>>
      %dma_start3A_168 = arith.constant 0 : i32
      %dma_start3A_169 = tpu.memref_slice %arg8[%dma_start3A_168, %mul3A_148] : memref<16x512xf32, #tpu.memory_space<vmem_shared>> -> memref<16x32xf32, #tpu.memory_space<vmem_shared>>
      %dma_start3A_170 = arith.constant 0 : i32
      %dma_start3A_171 = tpu.memref_slice %arg8[%dma_start3A_170, %mul3A_148] : memref<16x512xf32, #tpu.memory_space<vmem_shared>> -> memref<16x32xf32, #tpu.memory_space<vmem_shared>>
      tpu.enqueue_dma source(%dma_start3A_171 : memref<16x32xf32, #tpu.memory_space<vmem_shared>>) target(%arg9 : memref<16x32xf32, #tpu.memory_space<vmem>>) target_semaphore(%run_scoped3A : memref<!tpu.dma_semaphore, #tpu.memory_space<semaphore_mem>>)
      %dma_wait3A_172 = arith.constant 0 : i32
      %dma_wait3A_173 = tpu.memref_slice %arg8[%dma_wait3A_172, %mul3A_148] : memref<16x512xf32, #tpu.memory_space<vmem_shared>> -> memref<16x32xf32, #tpu.memory_space<vmem_shared>>
      %dma_wait3A_174 = arith.constant 0 : i32
      %dma_wait3A_175 = tpu.memref_slice %arg8[%dma_wait3A_174, %mul3A_148] : memref<16x512xf32, #tpu.memory_space<vmem_shared>> -> memref<16x32xf32, #tpu.memory_space<vmem_shared>>
      tpu.wait_dma2 semaphore(%run_scoped3A : memref<!tpu.dma_semaphore, #tpu.memory_space<semaphore_mem>>) src(%dma_wait3A_175 : memref<16x32xf32, #tpu.memory_space<vmem_shared>>) dst(%arg9 : memref<16x32xf32, #tpu.memory_space<vmem>>)
      tpu.yield
    }) : () -> ()
    %get3A = arith.constant 0 : i32
    %get3A_149 = arith.index_cast %get3A : i32 to index
    %get3A_150 = arith.constant 0 : index
    %get3A_151 = tpu.vector_load %arg9[%get3A_149, %get3A_150] {strides = array<i32>} : memref<16x32xf32, #tpu.memory_space<vmem>>, vector<16xf32>,
    %get3A_152 = arith.constant 0 : i32
    %get3A_153 = arith.index_cast %get3A_152 : i32 to index
    %get3A_154 = arith.constant 16 : index
    %get3A_155 = tpu.vector_load %arg9[%get3A_153, %get3A_154] {strides = array<i32>} : memref<16x32xf32, #tpu.memory_space<vmem>>, vector<16xf32>,
    %scan3A_156 = arith.constant 1 : i32
    %scan3A_157 = arith.constant 15 : i32
    %scan3A_158 = arith.addi %scan3A_156, %scan3A_157 : i32
    %scan3A_159 = arith.constant 1 : i32
    %scan3A_160:2 = scf.for %scan3A_168 = %scan3A_156 to %scan3A_158 step %scan3A_159 iter_args(%scan3A_169 = %get3A_151, %scan3A_170 = %get3A_155) -> (vector<16xf32>, vector<16xf32>)  : i32 {
      %get3A_171 = arith.index_cast %scan3A_168 : i32 to index
      %get3A_172 = arith.constant 0 : index
      %get3A_173 = tpu.vector_load %arg9[%get3A_171, %get3A_172] {strides = array<i32>} : memref<16x32xf32, #tpu.memory_space<vmem>>, vector<16xf32>,
      %add3A_174 = arith.addf %scan3A_169, %get3A_173 : vector<16xf32>
      %get3A_175 = arith.index_cast %scan3A_168 : i32 to index
      %get3A_176 = arith.constant 16 : index
      %get3A_177 = tpu.vector_load %arg9[%get3A_175, %get3A_176] {strides = array<i32>} : memref<16x32xf32, #tpu.memory_space<vmem>>, vector<16xf32>,
      %add3A_178 = arith.addf %scan3A_170, %get3A_177 : vector<16xf32>
      scf.yield %add3A_174, %add3A_178 : vector<16xf32>, vector<16xf32>
    }
    %scan3A_161 = arith.constant 15 : i32
    %swap3A_162 = arith.constant 0 : index
    %swap3A_163 = tpu.vector_load %arg10[%swap3A_162] {strides = array<i32>} : memref<32xf32, #tpu.memory_space<vmem>>, vector<16xf32>,
    tpu.vector_store %arg10[%swap3A_162], %scan3A_160#0 {strides = array<i32>} : memref<32xf32, #tpu.memory_space<vmem>>, vector<16xf32>,
    %swap3A_164 = arith.constant 16 : index
    %swap3A_165 = tpu.vector_load %arg10[%swap3A_164] {strides = array<i32>} : memref<32xf32, #tpu.memory_space<vmem>>, vector<16xf32>,
    tpu.vector_store %arg10[%swap3A_164], %scan3A_160#1 {strides = array<i32>} : memref<32xf32, #tpu.memory_space<vmem>>, vector<16xf32>,
    %mul3A_166 = arith.constant 32 : i32
    %mul3A_167 = arith.muli %arg1, %mul3A_166 : i32
    "tpu.region"() ({
      %run_scoped3A = tpu.sem_alloc : memref<!tpu.dma_semaphore, #tpu.memory_space<semaphore_mem>>
      %dma_start3A_168 = tpu.memref_slice %arg4[%arg0, %mul3A_167] : memref<2x512xf32, #tpu.memory_space<hbm>> -> memref<1x32xf32, #tpu.memory_space<hbm>>
      %dma_start3A_169 = tpu.memref_squeeze %dma_start3A_168 : memref<1x32xf32, #tpu.memory_space<hbm>> -> memref<32xf32, #tpu.memory_space<hbm>>
      %dma_start3A_170 = tpu.memref_slice %arg4[%arg0, %mul3A_167] : memref<2x512xf32, #tpu.memory_space<hbm>> -> memref<1x32xf32, #tpu.memory_space<hbm>>
      %dma_start3A_171 = tpu.memref_squeeze %dma_start3A_170 : memref<1x32xf32, #tpu.memory_space<hbm>> -> memref<32xf32, #tpu.memory_space<hbm>>
      tpu.enqueue_dma source(%arg10 : memref<32xf32, #tpu.memory_space<vmem>>) target(%dma_start3A_171 : memref<32xf32, #tpu.memory_space<hbm>>) target_semaphore(%run_scoped3A : memref<!tpu.dma_semaphore, #tpu.memory_space<semaphore_mem>>)
      %dma_wait3A_172 = tpu.memref_slice %arg4[%arg0, %mul3A_167] : memref<2x512xf32, #tpu.memory_space<hbm>> -> memref<1x32xf32, #tpu.memory_space<hbm>>
      %dma_wait3A_173 = tpu.memref_squeeze %dma_wait3A_172 : memref<1x32xf32, #tpu.memory_space<hbm>> -> memref<32xf32, #tpu.memory_space<hbm>>
      %dma_wait3A_174 = tpu.memref_slice %arg4[%arg0, %mul3A_167] : memref<2x512xf32, #tpu.memory_space<hbm>> -> memref<1x32xf32, #tpu.memory_space<hbm>>
      %dma_wait3A_175 = tpu.memref_squeeze %dma_wait3A_174 : memref<1x32xf32, #tpu.memory_space<hbm>> -> memref<32xf32, #tpu.memory_space<hbm>>
      tpu.wait_dma2 semaphore(%run_scoped3A : memref<!tpu.dma_semaphore, #tpu.memory_space<semaphore_mem>>) src(%arg10 : memref<32xf32, #tpu.memory_space<vmem>>) dst(%dma_wait3A_175 : memref<32xf32, #tpu.memory_space<hbm>>)
      tpu.yield
    }) : () -> ()
    return
  }
}

</mosaic_0001>

<sc_bundles>
// kernel: kernel.3.cloned.1.call-start
scs
__scs_entry_jumppad:
0x0: {  	(pc) =	sbr.rel $0x88, $3  }
0x1: {  	(tag) =	ssettag $0x0;
	lr =	simm.s32 $0x1  }
0x2: {  	[smem:$0x3F9F] =	sst lr;
	_ =	strace $0xD0000000  }
0x3: {  	_ = 	snop  }
0x4: {  	_ = 	snop  }
0x5: {  	_ = 	snop  }
0x6: {  	_ = 	snop  }
0x7: {  	_ = 	snop  }
__scs_overlays_trampoline_lowered:
0x8: {  	[smem:$0x3FAE] =	sst s0  }
0x9: {  	[smem:$0x3FAF] =	sst s1  }
0xa: {  	[smem:$0x3FB0] =	sst s2  }
0xb: {  	[smem:$0x3FB1] =	sst s3  }
0xc: {  	[smem:$0x3FB2] =	sst s4  }
0xd: {  	[smem:$0x3FB3] =	sst s5  }
0xe: {  	[smem:$0x3FB4] =	sst s6  }
0xf: {  	[smem:$0x3FB5] =	sst s7  }
0x10: {  	[smem:$0x3FB6] =	sst s8  }
0x11: {  	[smem:$0x3FB7] =	sst s9;
	s0 =	simm.s32 @!p0 $0x0  }
0x12: {  	s1 =	sld [smem:$0x3F9D];
	s0 =	simm.s32 @p0 $0x1  }
0x13: {  	[smem:$0x3FB8] =	sst s0;
	s0 =	simm.s32 @!p1 $0x0  }
0x14: {  	s2 =	sld [smem:$0x3F9C];
	s0 =	simm.s32 @p1 $0x1  }
0x15: {  	[smem:$0x3FB9] =	sst s0;
	s0 =	simm.s32 @!p2 $0x0  }
0x16: {  	s3 =	sld [smem:$0x3FDB];
	s0 =	simm.s32 @p2 $0x1  }
0x17: {  	s4 =	simm.s32 $0x1BF5;
	[smem:$0x3FBB] =	sst s0  }
0x18: {  	s0 =	sld [smem:$0x3F9E];
	_ =	swait.ge [sflag:s4], $0x0  }
0x19: {  	s7 =	sld [smem:$0x3F9F]  }
0x1a: {  	s8 =	sadd.s32 $0xFFFFE003, lr  }
0x1b: {  	s9 =	sadd.s32 $0xFFFFFEF7, lr;
	s5 =	simm.s32 $0xFFFFFFFF;
	p2 =	slt.u32 s8, $0xFFFFF086  }
0x1c: {  	p1 =	slt.u32 s9, $0xF7A;
	s5 =	simm.s32 @!p2 $0x0  }
0x1d: {  	s5 =	simm.s32 @p1 $0x1;
	p0 =	seq.s32 s7, s2  }
0x1e: {  	s7 =	smul.u32 @!p0 $0xF7A, s2;
	p2 =	seq.s32 @!p0 s5, $0x0  }
0x1f: {  	s9 =	smul.u32 $0xF7A, s1;
	s8 =	simm.s32 @!p0 $0x1BF5;
	p2 =	por !p2, p0  }
0x20: {  	[sflag:s8] =	ssyncset.s32 @!p0 $0xFFFFF086;
	s6 =	sadd.s32 @!p0 s3, s7;
	s7 =	simm.s32 @!p0 $0x108  }
0x21: {  	s3 =	sadd.s32 s3, s9;
	s6 =	sadd.s32 @!p0 $0x88, s6;
	s7 =	simm.s32 @p2 $0x1082  }
0x22: {  	[simem:s7], [sflag:s8] =	dma.local @!p0 [hbm:s6], $0xF7A  }
0x23: {  	s9 =	sor.u32 $0xD0000000, s2;
	s6 =	simm.s32 $0x108;
	_ =	swait.ge @!p0 [sflag:s8], $0x0  }
0x24: {  	s3 =	sadd.s32 $0x88, s3;
	s6 =	simm.s32 @!p1 $0x1082;
	[sflag:s4] =	ssyncset.s32 $0xFFFFF086  }
0x25: {  	[simem:s6], [sflag:s4] =	dma.local [hbm:s3], $0xF7A  }
0x26: {  	[smem:$0x3F9F] =	sst s1;
	(tag) =	ssettag s2;
	_ =	strace s9  }
0x27: {  	s1 =	sld [smem:$0x3FAF]  }
0x28: {  	s2 =	sld [smem:$0x3FB0]  }
0x29: {  	s4 =	sld [smem:$0x3FB2]  }
0x2a: {  	p0 =	seq.s32 s5, $0x0;
	s5 =	sld [smem:$0x3FB3]  }
0x2b: {  	s6 =	sld [smem:$0x3FB4]  }
0x2c: {  	s7 =	sld [smem:$0x3FB5]  }
0x2d: {  	s3 =	simm.s32 $0x108;
	s8 =	sld [smem:$0x3FB6]  }
0x2e: {  	s3 =	simm.s32 @!p0 $0x1082;
	s9 =	sld [smem:$0x3FB7]  }
0x2f: {  	lr =	sadd.s32 s0, s3;
	s0 =	sld [smem:$0x3FAE]  }
0x30: {  	s3 =	sld [smem:$0x3FB1]  }
0x31: {  	[smem:$0x3FBA] =	sst s10  }
0x32: {  	s10 =	sld [smem:$0x3FB8];
	_ =	sdelay $0x3  }
0x33: {  	p0 =	seq.s32 s10, $0x1;
	s10 =	sld [smem:$0x3FBA];
	_ =	sdelay $0x3  }
0x34: {  	[smem:$0x3FBA] =	sst s10  }
0x35: {  	s10 =	sld [smem:$0x3FB9];
	_ =	sdelay $0x3  }
0x36: {  	p1 =	seq.s32 s10, $0x1;
	s10 =	sld [smem:$0x3FBA];
	_ =	sdelay $0x3  }
0x37: {  	[smem:$0x3FBA] =	sst s10  }
0x38: {  	s10 =	sld [smem:$0x3FBB]  }
0x39: {  	_ = 	snop;
	(pc) =	sbr.ind lr, $3  }
0x3a: {  	_ = 	snop  }
0x3b: {  	_ = 	snop  }
0x3c: {  	p2 =	seq.s32 s10, $0x1;
	s10 =	sld [smem:$0x3FBA]  }
0x3d: {  	_ =	shalt  }
0x3e: {  	_ =	shalt  }
0x3f: {  	_ =	shalt  }
0x40: {  	_ =	shalt  }
0x41: {  	_ =	shalt  }
0x42: {  	_ =	shalt  }
0x43: {  	_ =	shalt  }
0x44: {  	_ =	shalt  }
0x45: {  	_ =	shalt  }
0x46: {  	_ =	shalt  }
0x47: {  	_ =	shalt  }
0x48: {  	_ =	shalt  }
0x49: {  	_ =	shalt  }
0x4a: {  	_ =	shalt  }
0x4b: {  	_ =	shalt  }
0x4c: {  	_ =	shalt  }
0x4d: {  	_ =	shalt  }
0x4e: {  	_ =	shalt  }
0x4f: {  	_ =	shalt  }
0x50: {  	_ =	shalt  }
0x51: {  	_ =	shalt  }
0x52: {  	_ =	shalt  }
0x53: {  	_ =	shalt  }
0x54: {  	_ =	shalt  }
0x55: {  	_ =	shalt  }
0x56: {  	_ =	shalt  }
0x57: {  	_ =	shalt  }
0x58: {  	_ =	shalt  }
0x59: {  	_ =	shalt  }
0x5a: {  	_ =	shalt  }
0x5b: {  	_ =	shalt  }
0x5c: {  	_ =	shalt  }
0x5d: {  	_ =	shalt  }
0x5e: {  	_ =	shalt  }
0x5f: {  	_ =	shalt  }
0x60: {  	_ =	shalt  }
0x61: {  	_ =	shalt  }
0x62: {  	_ =	shalt  }
0x63: {  	_ =	shalt  }
0x64: {  	_ =	shalt  }
0x65: {  	_ =	shalt  }
0x66: {  	_ =	shalt  }
0x67: {  	_ =	shalt  }
0x68: {  	_ =	shalt  }
0x69: {  	_ =	shalt  }
0x6a: {  	_ =	shalt  }
0x6b: {  	_ =	shalt  }
0x6c: {  	_ =	shalt  }
0x6d: {  	_ =	shalt  }
0x6e: {  	_ =	shalt  }
0x6f: {  	_ =	shalt  }
0x70: {  	_ =	shalt  }
0x71: {  	_ =	shalt  }
0x72: {  	_ =	shalt  }
0x73: {  	_ =	shalt  }
0x74: {  	_ =	shalt  }
0x75: {  	_ =	shalt  }
0x76: {  	_ =	shalt  }
0x77: {  	_ =	shalt  }
0x78: {  	_ =	shalt  }
0x79: {  	_ =	shalt  }
0x7a: {  	_ =	shalt  }
0x7b: {  	_ =	shalt  }
0x7c: {  	_ =	shalt  }
0x7d: {  	_ =	shalt  }
0x7e: {  	_ =	shalt  }
0x7f: {  	_ =	shalt  }
0x80: {  	_ =	shalt  }
0x81: {  	_ =	shalt  }
0x82: {  	_ =	shalt  }
0x83: {  	_ =	shalt  }
0x84: {  	_ =	shalt  }
0x85: {  	_ =	shalt  }
0x86: {  	_ =	shalt  }
0x87: {  	_ =	shalt  }
.Lfunc_end0:
.L_simem_size_0:
called_computation_lowered:
.L_overlay_start_0:
0x88: {  	s2 =	sld [smem:$0x3FD9]  }
0x89: {  	s3 =	sld [smem:$0x3FFE];
	_ =	sdelay $0x1  }
0x8a: {  	s1 =	srdreg.scid  }
0x8b: {  	s0 =	sand.u32 $0x1, s1  }
0x8c: {  	s17 =	sshll.u32 s0, $0xA;
	s2 =	sadd.s32 s3, s2  }
0x8d: {  	s2 =	sadd.s32 s2, s17  }
0x8e: {  	[smem:$0x3FC6] =	sst s2  }
0x8f: {  	_ = 	snop  }
0x90: {  	s2 =	sld [smem:$0x3FC8];
	(tm) =	ssettm $0x1  }
0x91: {  	s18 =	sld [smem:$0x3FFB];
	_ =	sdelay $0x3  }
0x92: {  	_ =	strace s18  }
0x93: {  	s3 =	sld [smem:$0x3FFC];
	_ =	sdelay $0x3  }
0x94: {  	_ =	strace s3  }
0x95: {  	s3 =	sld [smem:$0x3FFD];
	_ =	sdelay $0x3  }
0x96: {  	_ =	strace s3  }
0x97: {  	_ =	strace $0x8FFFFFFF  }
0x98: {  	s19 =	sld [smem:$0x3FDB];
	_ =	sdelay $0x1  }
0x99: {  	s4 =	simm.s32 $_scs_section_size  }
0x9a: {  	s5 =	simm.s32 $_size__tile_overlayer_lowered;
	s6 =	simm.s32 $_tile_overlayer_lowered  }
0x9b: {  	s22 =	simm.s32 $0x1BFF;
	s21 =	sshll.u32 s6, $0x1;
	s3 =	sadd.s32 s4, s19  }
0x9c: {  	s7 =	simm.s32 $0x0;
	s20 =	sshll.u32 s5, $0x1;
	s5 =	sadd.s32 s21, s3  }
0x9d: {  	[timem:s7], [sflag:s22] =	dma.local [hbm:s5], s20  }
0x9e: {  	_ =	swait.ge [sflag:s22], s20  }
0x9f: {  	s4 =	ssub.s32 $0x0, s20;
	[sflag:s22] =	ssyncset.done $0x0  }
0xa0: {  	[sflag:s22] =	ssyncadd.s32 s4;
	_ =	sdelay $0x1  }
0xa1: {  	s23 =	simm.s32 $0x1B8B  }
0xa2: {  	_ =	swait.ge [sflag:s23], $0x1  }
0xa3: {  	[sflag:s23] =	ssyncset.done $0x0  }
0xa4: {  	s25 =	simm.s32 $0x1B8E;
	s24 =	sld [smem:$0x3FFE];
	[sflag:s23] =	ssyncadd.s32 $0xFFFFFFFF  }
0xa5: {  	s26 =	simm.s32 $execute0_lowered;
	[smem:$0x3FD2] =	sst s25  }
0xa6: {  	s5 =	sshll.u32 s26, $0x1;
	_ =	strace $0x80000046;
	[dreg:$0x1] =	wrdreg $0xFFFFFFFF  }
0xa7: {  	s28 =	simm.s32 $_size_execute0_lowered;
	s3 =	sadd.s32 s3, s5;
	[dreg:$0x0] =	wrdreg $0x0  }
0xa8: {  	s5 =	sshll.u32 s28, $0x1;
	[dreg:$0x2] =	wrdreg s3  }
0xa9: {  	[dreg:$0x3] =	wrdreg s5  }
0xaa: {  	[dreg:$0x4] =	wrdreg $0xC0  }
0xab: {  	_ =	task [dreg:s7], $0x5FFFF  }
0xac: {  	[dreg:$0x1] =	wrdreg $0xFFFFFFFF  }
0xad: {  	[dreg:$0x0] =	wrdreg $0x60  }
0xae: {  	[dreg:$0x2] =	wrdreg s24  }
0xaf: {  	[dreg:$0x3] =	wrdreg s2  }
0xb0: {  	[dreg:$0x4] =	wrdreg $0x1A800  }
0xb1: {  	[dreg:$0x5] =	wrdreg $0x9  }
0xb2: {  	_ =	task.clear_ibuf [dreg:s7], $0x6FFFF;
	_ =	strace $0x90000046  }
0xb3: {  	s29 =	simm.s32 $0x9;
	_ =	strace $0x80000048  }
0xb4: {  	_ =	swait.ge [sflag:s29], $0x1  }
0xb5: {  	[sflag:s29] =	ssyncadd.s32 $0xFFFFFFFF  }
0xb6: {  	_ =	strace $0x90000048  }
0xb7: {  	_ =	sfence  }
0xb8: {  	s30 =	sld [smem:$0x0];
	_ =	sdelay $0x2  }
0xb9: {  	s31 =	sshll.u32 s1, $0xD;
	s1 =	sshrl.u32 s1, $0x2  }
0xba: {  	s3 =	sand.u32 $0x4000, s31;
	s1 =	sadd.s32 s1, s30  }
0xbb: {  	s0 =	sor.u32 s3, s0;
	s1 =	sshll.u32 s1, $0x11  }
0xbc: {  	s0 =	sor.u32 s1, s0  }
0xbd: {  	s0 =	sadd.s32 $0x8F2B, s0  }
0xbe: {  	[sflag:s0] =	ssyncadd.remote.s32 $0x1  }
0xbf: {  	_ =	sfence.sel $0xFFFF  }
0xc0: {  	[dreg:$0x0] =	wrdreg $0xFFFFFFFF;
	(pc) =	sbr.abs _section_cstart, $3  }
0xc1: {  	[dreg:$0x1] =	wrdreg $0xFFFFFFFF  }
0xc2: {  	_ =	task.clear_ibuf [dreg:s7], $0x2FFFF;
	_ =	strace $0x9FFFFFFF  }
0xc3: {  	(tm) =	ssettm $0x7FFFFFFF  }
tec
execute0_lowered:
.L_overlay_start_1:
0x0: {  	(tag) =	ssettag $0x1  }
0x1: {  	s3 =	rddreg [dreg:$0x0]  }
0x2: {  	s4 =	rddreg [dreg:$0x1]  }
0x3: {  	s6 =	rddreg [dreg:$0x2]  }
0x4: {  	s0 =	rddreg [dreg:$0x3];
	s2 =	simm.s32 $0x0;
	s5 =	srdreg.scid  }
0x5: {  	s1 =	stileid.u32;
	s16 =	simm.s32 $0x160;
	s12 =	simm.s32 $0x1880  }
0x6: {  	s13 =	simm.s32 $0x3;
	s14 =	simm.s32 $0x20;
	s15 =	simm.s32 $0x200  }
0x7: {  	s17 =	simm.s32 $0x1E80;
	s18 =	simm.s32 $0x0;
	[smem:$0x7FF] =	sst s2  }
0x8: {  	s5 =	sand.u32 $0x1, s5;
	s7 =	sshll.u32 s1, $0x5;
	s31 =	sshll.u32 s1, $0x9  }
0x9: {  	s8 =	sshll.u32 s5, $0x9;
	s9 =	sshll.u32 s5, $0x4;
	_ =	strace $0x80000047  }
0xa: {  	s5 =	ssub.s32 $0x2, s5;
	s8 =	sor.u32 s7, s8;
	s9 =	sor.u32 s1, s9  }
0xb: {  	s11 =	sshrl.u32 s5, $0x1;
	s8 =	sshrl.u32 s8, $0x3;
	s10 =	smul.u32 $0x188, s9  }
0xc: {  	p0 =	seq.s32 s9, $0x1F;
	s30 =	ssub.s32 s5, s11;
	s5 =	sadd.s32 s31, s6  }
0xd: {  	s6 =	sadd.s32 s7, s6;
	s9 =	simm.s32 $0xC40;
	s11 =	simm.s32 $0x2  }
0xe: {  	v2 =	vlaneseq.u32;
	s8 =	sadd.s32 s8, s3;
	s16 =	simm.s32 @!p0 $0x0;
	s10 =	simm.s32 @p0 $0x2F4C  }
0xf: {  	v2 =	vmul.u32 $0xC4, v2;
	s7 =	sadd.s32 $0x3200, s8;
	s8 =	smax.u32 s30, $0x1;
	v0 =	vmov s16;
	s16 =	simm.s32 $0x1C80  }
0x10: {  	v1 =	vimm.f32 $0.0e+00;
	s3 =	sadd.s32 s3, s10;
	s4 =	sadd.s32 s4, s10;
	s10 =	simm.s32 $0x1  }
.LBB2_1:
0x11: {  	[tilespmem:s2], [sflag:$0x1] =	stream.linear.gather [hbm4b:s3+s2], $0xC40, $0x38;
	[tilespmem:$0x1EA0] =	vst v63  }
0x12: {  	_ = 	snop  }
0x13: {  	[tilespmem:s9], [sflag:$0x2] =	stream.linear.gather [hbm4b:s4+s2], $0xC40, $0x38;
	[tilespmem:$0x1EA0] =	vst v63  }
0x14: {  	[tilespmem:$0x1880] =	vst v1  }
0x15: {  	[tilespmem:$0x1890] =	vst v1  }
0x16: {  	[tilespmem:$0x18A0] =	vst v1  }
0x17: {  	[tilespmem:$0x18B0] =	vst v1  }
0x18: {  	[tilespmem:$0x18C0] =	vst v1  }
0x19: {  	[tilespmem:$0x18D0] =	vst v1  }
0x1a: {  	[tilespmem:$0x18E0] =	vst v1  }
0x1b: {  	[tilespmem:$0x18F0] =	vst v1  }
0x1c: {  	[tilespmem:$0x1900] =	vst v1  }
0x1d: {  	[tilespmem:$0x1910] =	vst v1  }
0x1e: {  	[tilespmem:$0x1920] =	vst v1  }
0x1f: {  	[tilespmem:$0x1930] =	vst v1  }
0x20: {  	[tilespmem:$0x1940] =	vst v1  }
0x21: {  	[tilespmem:$0x1950] =	vst v1  }
0x22: {  	[tilespmem:$0x1960] =	vst v1  }
0x23: {  	[tilespmem:$0x1970] =	vst v1  }
0x24: {  	[tilespmem:$0x1980] =	vst v1  }
0x25: {  	[tilespmem:$0x1990] =	vst v1  }
0x26: {  	[tilespmem:$0x19A0] =	vst v1  }
0x27: {  	[tilespmem:$0x19B0] =	vst v1  }
0x28: {  	[tilespmem:$0x19C0] =	vst v1  }
0x29: {  	[tilespmem:$0x19D0] =	vst v1  }
0x2a: {  	[tilespmem:$0x19E0] =	vst v1  }
0x2b: {  	[tilespmem:$0x19F0] =	vst v1  }
0x2c: {  	[tilespmem:$0x1A00] =	vst v1  }
0x2d: {  	[tilespmem:$0x1A10] =	vst v1  }
0x2e: {  	[tilespmem:$0x1A20] =	vst v1  }
0x2f: {  	[tilespmem:$0x1A30] =	vst v1  }
0x30: {  	[tilespmem:$0x1A40] =	vst v1  }
0x31: {  	[tilespmem:$0x1A50] =	vst v1  }
0x32: {  	[tilespmem:$0x1A60] =	vst v1  }
0x33: {  	[tilespmem:$0x1A70] =	vst v1  }
0x34: {  	s19 =	simm.s32 $0x0;
	_ =	swait.ge [sflag:s10], $0xC40  }
0x35: {  	v3 =	vadd.s32 s19, v2;
	[sflag:s10] =	ssyncset.done $0x0  }
0x36: {  	[sflag:s10] =	ssyncadd.s32 $0xFFFFF3C0  }
0x37: {  	_ =	swait.ge [sflag:s11], $0xC40  }
0x38: {  	[sflag:s11] =	ssyncset.done $0x0  }
0x39: {  	[sflag:s11] =	ssyncadd.s32 $0xFFFFF3C0  }
0x3a: {  	v4 =	vld.idx.msk [tilespmem:v3+s2+$0x0], $0xffff  }
0x3b: {  	v5 =	vld.idx.msk [tilespmem:v3+s9+$0x0], $0xffff;
	_ =	sdelay $0x1  }
0x3c: {  	vm0 =	vge.u32 v3, v0  }
0x3d: {  	s30 =	simm.s32 $0x1  }
0x3e: {  	v3 =	vmul.f32 v4, v4;
	v4 =	vadd.s32 s30, v2;
	_ =	sdelay $0x1  }
0x3f: {  	v3 =	vmul.f32 $1.000000010e-01, v3;
	_ =	sdelay $0x1  }
0x40: {  	[tilespmem:v5+s12+$0x0] =	vst.idx.add.f32.msk vm0, v3  }
0x41: {  	v3 =	vld.idx.msk [tilespmem:v4+s2+$0x0], $0xffff  }
0x42: {  	v5 =	vld.idx.msk [tilespmem:v4+s9+$0x0], $0xffff;
	_ =	sdelay $0x1  }
0x43: {  	vm0 =	vge.u32 v4, v0  }
0x44: {  	s31 =	simm.s32 $0x2  }
0x45: {  	v4 =	vadd.s32 s31, v2;
	v3 =	vmul.f32 v3, v3;
	_ =	sdelay $0x1  }
0x46: {  	v3 =	vmul.f32 $1.000000010e-01, v3;
	_ =	sdelay $0x1  }
0x47: {  	[tilespmem:v5+s12+$0x0] =	vst.idx.add.f32.msk vm0, v3  }
0x48: {  	v3 =	vld.idx.msk [tilespmem:v4+s2+$0x0], $0xffff  }
0x49: {  	v5 =	vld.idx.msk [tilespmem:v4+s9+$0x0], $0xffff;
	_ =	sdelay $0x1  }
0x4a: {  	vm0 =	vge.u32 v4, v0;
	_ =	sdelay $0x1  }
0x4b: {  	v6 =	vadd.s32 s13, v2;
	v3 =	vmul.f32 v3, v3;
	_ =	sdelay $0x1  }
0x4c: {  	v3 =	vmul.f32 $1.000000010e-01, v3;
	_ =	sdelay $0x1  }
0x4d: {  	[tilespmem:v5+s12+$0x0] =	vst.idx.add.f32.msk vm0, v3  }
0x4e: {  	v4 =	vld.idx.msk [tilespmem:v6+s2+$0x0], $0xffff  }
0x4f: {  	v3 =	vld.idx.msk [tilespmem:v6+s9+$0x0], $0xffff;
	_ =	sdelay $0x1  }
0x50: {  	vm0 =	vge.u32 v6, v0  }
0x51: {  	s21 =	simm.s32 $0x4;
	s20 =	simm.s32 $0xB;
	s19 =	simm.s32 $0x7  }
.LBB2_2:
0x52: {  	p0 =	sne.s32 s20, $0xC3;
	v5 =	vadd.s32 s21, v2;
	v4 =	vmul.f32 v4, v4;
	_ =	sdelay $0x1  }
0x53: {  	v4 =	vmul.f32 $1.000000010e-01, v4;
	_ =	sdelay $0x1  }
0x54: {  	[tilespmem:v3+s12+$0x0] =	vst.idx.add.f32.msk vm0, v4  }
0x55: {  	v3 =	vld.idx.msk [tilespmem:v5+s2+$0x0], $0xffff  }
0x56: {  	v4 =	vld.idx.msk [tilespmem:v5+s9+$0x0], $0xffff;
	_ =	sdelay $0x2  }
0x57: {  	vm0 =	vge.u32 v5, v0  }
0x58: {  	s21 =	sadd.s32 $0xFFFFFFFE, s19  }
0x59: {  	v5 =	vadd.s32 s21, v2;
	v3 =	vmul.f32 v3, v3;
	_ =	sdelay $0x1  }
0x5a: {  	v3 =	vmul.f32 $1.000000010e-01, v3;
	_ =	sdelay $0x1  }
0x5b: {  	[tilespmem:v4+s12+$0x0] =	vst.idx.add.f32.msk vm0, v3  }
0x5c: {  	v3 =	vld.idx.msk [tilespmem:v5+s2+$0x0], $0xffff;
	_ =	sdelay $0x1  }
0x5d: {  	v4 =	vld.idx.msk [tilespmem:v5+s9+$0x0], $0xffff;
	_ =	sdelay $0x1  }
0x5e: {  	vm0 =	vge.u32 v5, v0  }
0x5f: {  	s21 =	sadd.s32 $0xFFFFFFFF, s19  }
0x60: {  	v5 =	vadd.s32 s21, v2;
	v3 =	vmul.f32 v3, v3;
	_ =	sdelay $0x1  }
0x61: {  	v3 =	vmul.f32 $1.000000010e-01, v3;
	_ =	sdelay $0x1  }
0x62: {  	[tilespmem:v4+s12+$0x0] =	vst.idx.add.f32.msk vm0, v3  }
0x63: {  	v3 =	vld.idx.msk [tilespmem:v5+s2+$0x0], $0xffff;
	_ =	sdelay $0x1  }
0x64: {  	v4 =	vld.idx.msk [tilespmem:v5+s9+$0x0], $0xffff;
	_ =	sdelay $0x1  }
0x65: {  	vm0 =	vge.u32 v5, v0;
	_ =	sdelay $0x1  }
0x66: {  	v5 =	vadd.s32 s19, v2;
	s19 =	smov.u32 s20;
	v3 =	vmul.f32 v3, v3;
	_ =	sdelay $0x1  }
0x67: {  	v3 =	vmul.f32 $1.000000010e-01, v3;
	_ =	sdelay $0x1  }
0x68: {  	[tilespmem:v4+s12+$0x0] =	vst.idx.add.f32.msk vm0, v3  }
0x69: {  	v4 =	vld.idx.msk [tilespmem:v5+s2+$0x0], $0xffff  }
.Ltmp0:
0x6a: {  	v3 =	vld.idx.msk [tilespmem:v5+s9+$0x0], $0xffff;
	(pc) =	sbr.rel @p0 .LBB2_2-.Ltmp0, $3  }
0x6b: {  	_ =	sdelay $0x1  }
0x6c: {  	vm0 =	vge.u32 v5, v0  }
0x6d: {  	s20 =	sadd.s32 $0x4, s20;
	s21 =	sadd.s32 $0xFFFFFFFD, s19  }
0x6e: {  	_ = 	snop  }
0x6f: {  	v5 =	vadd.s32 s21, v2;
	v4 =	vmul.f32 v4, v4;
	_ =	sdelay $0x1  }
0x70: {  	v4 =	vmul.f32 $1.000000010e-01, v4;
	_ =	sdelay $0x1  }
0x71: {  	[tilespmem:v3+s12+$0x0] =	vst.idx.add.f32.msk vm0, v4  }
0x72: {  	v3 =	vld.idx.msk [tilespmem:v5+s2+$0x0], $0xffff  }
0x73: {  	v4 =	vld.idx.msk [tilespmem:v5+s9+$0x0], $0xffff;
	_ =	sdelay $0x1  }
0x74: {  	vm12 =	vge.u32 v5, v0  }
0x75: {  	s20 =	sadd.s32 $0xFFFFFFFE, s19  }
0x76: {  	v34 =	vadd.s32 s20, v2;
	v3 =	vmul.f32 v3, v3;
	_ =	sdelay $0x1  }
0x77: {  	v3 =	vmul.f32 $1.000000010e-01, v3;
	_ =	sdelay $0x1  }
0x78: {  	[tilespmem:v4+s12+$0x0] =	vst.idx.add.f32.msk vm12, v3  }
0x79: {  	v3 =	vld.idx.msk [tilespmem:v34+s2+$0x0], $0xffff  }
0x7a: {  	v4 =	vld.idx.msk [tilespmem:v34+s9+$0x0], $0xffff;
	_ =	sdelay $0x1  }
0x7b: {  	vm13 =	vge.u32 v34, v0  }
0x7c: {  	s31 =	sadd.s32 $0xFFFFFFFF, s19  }
0x7d: {  	v35 =	vadd.s32 s31, v2;
	v3 =	vmul.f32 v3, v3;
	_ =	sdelay $0x1  }
0x7e: {  	v3 =	vmul.f32 $1.000000010e-01, v3;
	_ =	sdelay $0x1  }
0x7f: {  	[tilespmem:v4+s12+$0x0] =	vst.idx.add.f32.msk vm13, v3  }
0x80: {  	v3 =	vld.idx.msk [tilespmem:v35+s2+$0x0], $0xffff  }
0x81: {  	v4 =	vld.idx.msk [tilespmem:v35+s9+$0x0], $0xffff;
	_ =	sdelay $0x1  }
0x82: {  	vm14 =	vge.u32 v35, v0;
	_ =	sdelay $0x1  }
0x83: {  	v36 =	vadd.s32 s19, v2;
	v3 =	vmul.f32 v3, v3;
	_ =	sdelay $0x1  }
0x84: {  	v3 =	vmul.f32 $1.000000010e-01, v3;
	_ =	sdelay $0x1  }
0x85: {  	[tilespmem:v4+s12+$0x0] =	vst.idx.add.f32.msk vm14, v3  }
0x86: {  	v3 =	vld.idx.msk [tilespmem:v36+s2+$0x0], $0xffff  }
0x87: {  	v4 =	vld.idx.msk [tilespmem:v36+s9+$0x0], $0xffff;
	_ =	sdelay $0x1  }
0x88: {  	vm15 =	vge.u32 v36, v0;
	_ =	sdelay $0x1  }
0x89: {  	v3 =	vmul.f32 v3, v3;
	_ =	sdelay $0x1  }
0x8a: {  	v3 =	vmul.f32 $1.000000010e-01, v3;
	_ =	sdelay $0x1  }
0x8b: {  	[tilespmem:v4+s12+$0x0] =	vst.idx.add.f32.msk vm15, v3  }
0x8c: {  	[spmem:s5] =	stream.linear.scatter [tilespmem:s12], [sflag:$0x3], $0x200, $0x38;
	[tilespmem:$0x1EA0] =	vst v63  }
0x8d: {  	_ =	swait.ge [sflag:s13], $0x200  }
0x8e: {  	[sflag:s13] =	ssyncset.done $0x0  }
0x8f: {  	[sflag:s13] =	ssyncadd.s32 $0xFFFFFE00  }
0x90: {  	[bflag:$0x0] =	sbarrier.arrive $0xFFFF  }
0x91: {  	[tilespmem:s16], [sflag:$0x3] =	stream.strided.gather [spmem:s6], $0x200, s15, s14, $0x38;
	[tilespmem:$0x1EA0] =	vst v63  }
0x92: {  	_ =	swait.ge [sflag:s13], $0x200  }
0x93: {  	[sflag:s13] =	ssyncset.done $0x0  }
0x94: {  	[sflag:s13] =	ssyncadd.s32 $0xFFFFFE00  }
0x95: {  	v3 =	vld [tilespmem:$0x1C80]  }
0x96: {  	v37 =	vld [tilespmem:$0x1C90]  }
0x97: {  	v38 =	vld [tilespmem:$0x1CA0]  }
0x98: {  	v6 =	vld [tilespmem:$0x1CB0]  }
0x99: {  	v7 =	vld [tilespmem:$0x1CC0]  }
0x9a: {  	v8 =	vld [tilespmem:$0x1CD0]  }
0x9b: {  	v9 =	vld [tilespmem:$0x1CE0]  }
0x9c: {  	v39 =	vld [tilespmem:$0x1CF0];
	v3 =	vadd.f32 v38, v3  }
0x9d: {  	v40 =	vld [tilespmem:$0x1D00];
	v4 =	vadd.f32 v6, v37  }
0x9e: {  	v41 =	vld [tilespmem:$0x1D10];
	v3 =	vadd.f32 v7, v3  }
0x9f: {  	v42 =	vld [tilespmem:$0x1D20];
	v4 =	vadd.f32 v8, v4  }
0xa0: {  	v43 =	vld [tilespmem:$0x1D30];
	v3 =	vadd.f32 v9, v3  }
0xa1: {  	v44 =	vld [tilespmem:$0x1D40];
	v4 =	vadd.f32 v39, v4  }
0xa2: {  	v45 =	vld [tilespmem:$0x1D50];
	v3 =	vadd.f32 v40, v3  }
0xa3: {  	v46 =	vld [tilespmem:$0x1D60];
	v4 =	vadd.f32 v41, v4  }
0xa4: {  	v47 =	vld [tilespmem:$0x1D70];
	v3 =	vadd.f32 v42, v3  }
0xa5: {  	v48 =	vld [tilespmem:$0x1D80];
	v4 =	vadd.f32 v43, v4  }
0xa6: {  	v49 =	vld [tilespmem:$0x1D90];
	v3 =	vadd.f32 v44, v3  }
0xa7: {  	v50 =	vld [tilespmem:$0x1DA0];
	v4 =	vadd.f32 v45, v4  }
0xa8: {  	v51 =	vld [tilespmem:$0x1DB0];
	v3 =	vadd.f32 v46, v3  }
0xa9: {  	v52 =	vld [tilespmem:$0x1DC0];
	v4 =	vadd.f32 v47, v4  }
0xaa: {  	v53 =	vld [tilespmem:$0x1DD0];
	v3 =	vadd.f32 v48, v3  }
0xab: {  	v54 =	vld [tilespmem:$0x1DE0];
	v4 =	vadd.f32 v49, v4  }
0xac: {  	v55 =	vld [tilespmem:$0x1DF0];
	v3 =	vadd.f32 v50, v3  }
0xad: {  	v56 =	vld [tilespmem:$0x1E00];
	v4 =	vadd.f32 v51, v4  }
0xae: {  	v57 =	vld [tilespmem:$0x1E10];
	v3 =	vadd.f32 v52, v3  }
0xaf: {  	v58 =	vld [tilespmem:$0x1E20];
	v4 =	vadd.f32 v53, v4  }
0xb0: {  	v59 =	vld [tilespmem:$0x1E30];
	v3 =	vadd.f32 v54, v3  }
0xb1: {  	v60 =	vld [tilespmem:$0x1E40];
	v4 =	vadd.f32 v55, v4  }
0xb2: {  	v61 =	vld [tilespmem:$0x1E50];
	v3 =	vadd.f32 v56, v3  }
0xb3: {  	v62 =	vld [tilespmem:$0x1E60];
	v4 =	vadd.f32 v57, v4  }
0xb4: {  	v63 =	vld [tilespmem:$0x1E70];
	v3 =	vadd.f32 v58, v3  }
0xb5: {  	v4 =	vadd.f32 v59, v4  }
0xb6: {  	v3 =	vadd.f32 v60, v3  }
0xb7: {  	v4 =	vadd.f32 v61, v4  }
0xb8: {  	v3 =	vadd.f32 v62, v3  }
0xb9: {  	s18 =	sadd.s32 $0x1, s18;
	v4 =	vadd.f32 v63, v4  }
0xba: {  	p0 =	sne.s32 s18, s8;
	[tilespmem:$0x1E80] =	vst v3  }
.Ltmp1:
0xbb: {  	[tilespmem:$0x1E90] =	vst v4;
	(pc) =	sbr.rel @p0 .LBB2_1-.Ltmp1, $4  }
0xbc: {  	[hbm4b:s7+s2] =	stream.linear.scatter [tilespmem:s17], [sflag:$0x3], $0x20, $0x38;
	[tilespmem:$0x1EA0] =	vst v63  }
0xbd: {  	_ =	swait.ge [sflag:s13], $0x20  }
0xbe: {  	[sflag:s13] =	ssyncset.done $0x0  }
0xbf: {  	[sflag:s13] =	ssyncadd.s32 $0xFFFFFFE0  }
0xc0: {  	_ =	sfence.sel $0x180000  }
0xc1: {  	[bflag:$0x0] =	sbarrier.arrive $0xFFFF  }
0xc2: {  	p0 =	sne.s32 s1, $0x0;
	_ =	strace $0x90000047  }
0xc3: {  	s0 =	sadd.s32 @!p0 $0x100000, s0;
	[bflag:$0x2] =	sbarrier.arrive $0xFFFF  }
0xc4: {  	[sflag:s0] =	ssyncadd.tile.s32 @!p0 $0x1;
	_ =	shalt  }
.Lfunc_end2:
_tile_overlayer_lowered:
.L_overlay_start_2:
0xc5: {  	(tag) =	ssettag $0x2  }
0xc6: {  	s0 =	rddreg [dreg:$0x0];
	s2 =	stileid.u32  }
0xc7: {  	s1 =	rddreg [dreg:$0x1];
	p0 =	sne.s32 s2, $0x0  }
0xc8: {  	s3 =	rddreg [dreg:$0x2];
	[bflag:$0x3] =	sbarrier.arrive $0xFFFF;
	s2 =	simm.s32 @!p0 $0x1C03  }
0xc9: {  	[timem:s3], [sflag:s2] =	dma.local @!p0 [hbm:s0], s1  }
0xca: {  	s0 =	simm.s32 @!p0 $0x3  }
0xcb: {  	_ =	swait.ge @!p0 [sflag:s0], s1  }
0xcc: {  	s1 =	ssub.s32 @!p0 $0x0, s1;
	[sflag:s0] =	ssyncset.done @!p0 $0x0  }
0xcd: {  	[sflag:s0] =	ssyncadd.s32 @!p0 s1  }
0xce: {  	[bflag:$0x3] =	sbarrier.arrive $0xFFFF  }
0xcf: {  	_ =	shalt  }

</sc_bundles>
